<compile_context>
chip_gen: v7x
topology: tpu7x:2x2x1
jax: 0.10.2.dev20260603
libtpu: 0.0.44.dev20260713+nightly
codegen_flags: <defaults>
</compile_context>

<pallas_src>
import functools

import jax
import jax.numpy as jnp
from jax import lax
from jax.experimental import pallas as pl
from jax.experimental.pallas import tpu as pltpu
from jax.experimental.pallas import tpu_sc as plsc

_SEQ = 4096
_HEAD = 256


@jax.jit
def _rope_gather(cos_tab, sin_tab, idx):
    info = plsc.get_sparse_core_info()
    nw = info.num_cores * info.num_subcores
    b_per_w = _SEQ // nw
    mesh = plsc.VectorSubcoreMesh(core_axis_name="c", subcore_axis_name="s")

    nch = 1
    rows = b_per_w // nch

    @functools.partial(
        pl.kernel,
        mesh=mesh,
        out_type=[
            jax.ShapeDtypeStruct((_SEQ, _HEAD), jnp.float32),
            jax.ShapeDtypeStruct((_SEQ, _HEAD), jnp.float32),
        ],
        scratch_types=[
            pltpu.VMEM((b_per_w,), jnp.int32),
            pltpu.VMEM((nch, rows, _HEAD), jnp.float32),
            pltpu.VMEM((nch, rows, _HEAD), jnp.float32),
        ]
        + [pltpu.SemaphoreType.DMA] * (nch + 1),
    )
    def k(cos_hbm, sin_hbm, idx_hbm, cos_out, sin_out, idx_v,
          cos_v, sin_v, *sems):
        sem_g, sem_o = sems[:nch], sems[nch]
        wid = lax.axis_index("s") * info.num_cores + lax.axis_index("c")
        base = wid * b_per_w
        pltpu.sync_copy(idx_hbm.at[0, pl.ds(base, b_per_w)], idx_v)
        gathers = []
        for c in range(nch):
            idx_c = idx_v.at[pl.ds(c * rows, rows)]
            gathers.append((
                pltpu.async_copy(cos_hbm.at[idx_c], cos_v.at[c], sem_g[c]),
                pltpu.async_copy(sin_hbm.at[idx_c], sin_v.at[c], sem_g[c]),
            ))
        outs = []
        for c in range(nch):
            gathers[c][0].wait()
            gathers[c][1].wait()
            r = pl.ds(base + c * rows, rows)
            outs.append(pltpu.async_copy(cos_v.at[c], cos_out.at[r], sem_o))
            outs.append(pltpu.async_copy(sin_v.at[c], sin_out.at[r], sem_o))
        for o in outs:
            o.wait()

    return k(cos_tab, sin_tab, idx)


def kernel(x, position_ids, cos_cached, sin_cached):
    cos, sin = _rope_gather(cos_cached[0], sin_cached[0],
                            position_ids.astype(jnp.int32))
    return cos[None].astype(x.dtype), sin[None].astype(x.dtype)

# --- scband reference (transcript-rebuilt; emitter-appended) ---
"""Pipeline reference for scband-gemma3-rotary-embedding-23081154249120 (READ-ONLY COPY).

The authoritative reference and input builder live on the scoring server;
editing this copy changes nothing except your own understanding.
"""

import jax, jax.numpy as jnp
import numpy as np

HEAD_DIM = 256
ROPE_THETA = 1000000.0
CONTEXT_LENGTH = 4096
STATE_LENGTH = 4096
BATCH = 1
SEQ_LEN = 4096
D_MODEL = 2048
TABLE_LEN = max(CONTEXT_LENGTH, STATE_LENGTH) * 2


def _build_cache():
    inv_freq = 1.0 / (ROPE_THETA ** (jnp.arange(0, HEAD_DIM, 2, dtype=jnp.float32) / HEAD_DIM))
    t = jnp.arange(TABLE_LEN, dtype=jnp.float32)
    freqs = jnp.einsum('i,j->ij', t, inv_freq)
    emb = jnp.concatenate((freqs, freqs), axis=-1)
    cos_cached = jnp.cos(emb)[None, :, :]
    sin_cached = jnp.sin(emb)[None, :, :]
    return cos_cached, sin_cached


def setup_inputs(seed: int = 0) -> dict:
    key = jax.random.key(seed)
    k1, k2 = jax.random.split(key)
    x = jax.random.normal(k1, (BATCH, SEQ_LEN, D_MODEL), dtype=jnp.float32)
    position_ids = jnp.sort(jax.random.randint(k2, (BATCH, SEQ_LEN), 0, TABLE_LEN), axis=-1)
    cos_cached, sin_cached = _build_cache()
    return {"x": x, "position_ids": position_ids, "cos_cached": cos_cached, "sin_cached": sin_cached}


def reference(x, position_ids, cos_cached, sin_cached):
    # position_ids has dim 2 -> squeeze leading batch dim (matches torch squeeze(0))
    pos_ids = position_ids[0] if position_ids.ndim > 1 else position_ids
    # gather from cached tables: cos_cached[:, pos_ids]
    cos = jnp.take(cos_cached, pos_ids, axis=1).astype(x.dtype)
    sin = jnp.take(sin_cached, pos_ids, axis=1).astype(x.dtype)
    return (cos, sin)

if __name__ == "__main__":
    import jax
    _d = setup_inputs()
    print(jax.jit(kernel)(*tuple(_d.values())))

</pallas_src>

<mosaic_0001>
#map = affine_map<(d0, d1) -> (0, 0)>
module attributes {stable_mosaic.version = 14 : i64} {
  func.func @k(%arg0: i32, %arg1: i32, %arg2: memref<8192x256xf32, #tpu.memory_space<hbm>>, %arg3: memref<8192x256xf32, #tpu.memory_space<hbm>>, %arg4: memref<1x4096xi32, #tpu.memory_space<hbm>>, %arg5: memref<4096x256xf32, #tpu.memory_space<hbm>>, %arg6: memref<4096x256xf32, #tpu.memory_space<hbm>>, %arg7: memref<128xi32, #tpu.memory_space<vmem>>, %arg8: memref<1x128x256xf32, #tpu.memory_space<vmem>>, %arg9: memref<1x128x256xf32, #tpu.memory_space<vmem>>, %arg10: memref<!tpu.dma_semaphore, #tpu.memory_space<semaphore_mem>>, %arg11: memref<!tpu.dma_semaphore, #tpu.memory_space<semaphore_mem>>) attributes {dimension_semantics = [#tpu.dimension_semantics<core_parallel>, #tpu.dimension_semantics<subcore_parallel>], iteration_bounds = array<i64: 2, 16>, scalar_prefetch = 0 : i64, scratch_operands = 5 : i64, tpu.core_type = #tpu.core_type<sc_vector_subcore>, window_params = [{transform_indices = #map}, {transform_indices = #map}, {transform_indices = #map}, {transform_indices = #map}, {transform_indices = #map}]} {
    %mul3A = arith.constant 2 : i32
    %mul3A_0 = arith.muli %arg1, %mul3A : i32
    %add3A = arith.addi %mul3A_0, %arg0 : i32
    %mul3A_1 = arith.constant 128 : i32
    %mul3A_2 = arith.muli %add3A, %mul3A_1 : i32
    %run_scoped3A = arith.constant 0 : i32
    "tpu.region"() ({
      %run_scoped3A_95 = tpu.sem_alloc : memref<!tpu.dma_semaphore, #tpu.memory_space<semaphore_mem>>
      %dma_start3A_96 = tpu.memref_slice %arg4[%run_scoped3A, %mul3A_2] : memref<1x4096xi32, #tpu.memory_space<hbm>> -> memref<1x128xi32, #tpu.memory_space<hbm>>
      %dma_start3A_97 = tpu.memref_squeeze %dma_start3A_96 : memref<1x128xi32, #tpu.memory_space<hbm>> -> memref<128xi32, #tpu.memory_space<hbm>>
      %dma_start3A_98 = tpu.memref_slice %arg4[%run_scoped3A, %mul3A_2] : memref<1x4096xi32, #tpu.memory_space<hbm>> -> memref<1x128xi32, #tpu.memory_space<hbm>>
      %dma_start3A_99 = tpu.memref_squeeze %dma_start3A_98 : memref<1x128xi32, #tpu.memory_space<hbm>> -> memref<128xi32, #tpu.memory_space<hbm>>
      tpu.enqueue_dma source(%dma_start3A_99 : memref<128xi32, #tpu.memory_space<hbm>>) target(%arg7 : memref<128xi32, #tpu.memory_space<vmem>>) target_semaphore(%run_scoped3A_95 : memref<!tpu.dma_semaphore, #tpu.memory_space<semaphore_mem>>)
      %dma_wait3A_100 = tpu.memref_slice %arg4[%run_scoped3A, %mul3A_2] : memref<1x4096xi32, #tpu.memory_space<hbm>> -> memref<1x128xi32, #tpu.memory_space<hbm>>
      %dma_wait3A_101 = tpu.memref_squeeze %dma_wait3A_100 : memref<1x128xi32, #tpu.memory_space<hbm>> -> memref<128xi32, #tpu.memory_space<hbm>>
      %dma_wait3A_102 = tpu.memref_slice %arg4[%run_scoped3A, %mul3A_2] : memref<1x4096xi32, #tpu.memory_space<hbm>> -> memref<1x128xi32, #tpu.memory_space<hbm>>
      %dma_wait3A_103 = tpu.memref_squeeze %dma_wait3A_102 : memref<1x128xi32, #tpu.memory_space<hbm>> -> memref<128xi32, #tpu.memory_space<hbm>>
      tpu.wait_dma2 semaphore(%run_scoped3A_95 : memref<!tpu.dma_semaphore, #tpu.memory_space<semaphore_mem>>) src(%dma_wait3A_103 : memref<128xi32, #tpu.memory_space<hbm>>) dst(%arg7 : memref<128xi32, #tpu.memory_space<vmem>>)
      tpu.yield
    }) : () -> ()
    %dma_start3A = arith.constant 0 : i32
    %dma_start3A_3 = arith.constant 0 : i32
    %dma_start3A_4 = arith.constant 0 : i32
    %dma_start3A_5 = tpu.memref_slice %arg8[%dma_start3A, %dma_start3A_3, %dma_start3A_4] : memref<1x128x256xf32, #tpu.memory_space<vmem>> -> memref<1x128x256xf32, #tpu.memory_space<vmem>>
    %dma_start3A_6 = tpu.memref_squeeze %dma_start3A_5 : memref<1x128x256xf32, #tpu.memory_space<vmem>> -> memref<128x256xf32, #tpu.memory_space<vmem>>
    %dma_start3A_7 = arith.constant 0 : i32
    %dma_start3A_8 = tpu.memref_slice %arg7[%dma_start3A_7] : memref<128xi32, #tpu.memory_space<vmem>> -> memref<128xi32, #tpu.memory_space<vmem>>
    %dma_start3A_9 = arith.constant 0 : i32
    %dma_start3A_10 = arith.constant 0 : i32
    %dma_start3A_11 = tpu.memref_slice %arg2[%dma_start3A_9, %dma_start3A_10] : memref<8192x256xf32, #tpu.memory_space<hbm>> -> memref<8192x256xf32, #tpu.memory_space<hbm>>
    tpu.enqueue_indirect_dma source(%dma_start3A_11 : memref<8192x256xf32, #tpu.memory_space<hbm>>) target(%dma_start3A_6 : memref<128x256xf32, #tpu.memory_space<vmem>>) offsets(%dma_start3A_8 : memref<128xi32, #tpu.memory_space<vmem>>) semaphore(%arg10 : memref<!tpu.dma_semaphore, #tpu.memory_space<semaphore_mem>>)
    %dma_start3A_12 = arith.constant 0 : i32
    %dma_start3A_13 = arith.constant 0 : i32
    %dma_start3A_14 = arith.constant 0 : i32
    %dma_start3A_15 = tpu.memref_slice %arg9[%dma_start3A_12, %dma_start3A_13, %dma_start3A_14] : memref<1x128x256xf32, #tpu.memory_space<vmem>> -> memref<1x128x256xf32, #tpu.memory_space<vmem>>
    %dma_start3A_16 = tpu.memref_squeeze %dma_start3A_15 : memref<1x128x256xf32, #tpu.memory_space<vmem>> -> memref<128x256xf32, #tpu.memory_space<vmem>>
    %dma_start3A_17 = arith.constant 0 : i32
    %dma_start3A_18 = tpu.memref_slice %arg7[%dma_start3A_17] : memref<128xi32, #tpu.memory_space<vmem>> -> memref<128xi32, #tpu.memory_space<vmem>>
    %dma_start3A_19 = arith.constant 0 : i32
    %dma_start3A_20 = arith.constant 0 : i32
    %dma_start3A_21 = tpu.memref_slice %arg3[%dma_start3A_19, %dma_start3A_20] : memref<8192x256xf32, #tpu.memory_space<hbm>> -> memref<8192x256xf32, #tpu.memory_space<hbm>>
    tpu.enqueue_indirect_dma source(%dma_start3A_21 : memref<8192x256xf32, #tpu.memory_space<hbm>>) target(%dma_start3A_16 : memref<128x256xf32, #tpu.memory_space<vmem>>) offsets(%dma_start3A_18 : memref<128xi32, #tpu.memory_space<vmem>>) semaphore(%arg10 : memref<!tpu.dma_semaphore, #tpu.memory_space<semaphore_mem>>)
    %dma_wait3A = arith.constant 0 : i32
    %dma_wait3A_22 = arith.constant 0 : i32
    %dma_wait3A_23 = arith.constant 0 : i32
    %dma_wait3A_24 = tpu.memref_slice %arg8[%dma_wait3A, %dma_wait3A_22, %dma_wait3A_23] : memref<1x128x256xf32, #tpu.memory_space<vmem>> -> memref<1x128x256xf32, #tpu.memory_space<vmem>>
    %dma_wait3A_25 = tpu.memref_squeeze %dma_wait3A_24 : memref<1x128x256xf32, #tpu.memory_space<vmem>> -> memref<128x256xf32, #tpu.memory_space<vmem>>
    %dma_wait3A_26 = arith.constant 0 : i32
    %dma_wait3A_27 = tpu.memref_slice %arg7[%dma_wait3A_26] : memref<128xi32, #tpu.memory_space<vmem>> -> memref<128xi32, #tpu.memory_space<vmem>>
    %dma_wait3A_28 = arith.constant 0 : i32
    %dma_wait3A_29 = arith.constant 0 : i32
    %dma_wait3A_30 = tpu.memref_slice %arg2[%dma_wait3A_28, %dma_wait3A_29] : memref<8192x256xf32, #tpu.memory_space<hbm>> -> memref<8192x256xf32, #tpu.memory_space<hbm>>
    tpu.wait_indirect_dma semaphore(%arg10 : memref<!tpu.dma_semaphore, #tpu.memory_space<semaphore_mem>>) src(%dma_wait3A_30 : memref<8192x256xf32, #tpu.memory_space<hbm>>) dst(%dma_wait3A_25 : memref<128x256xf32, #tpu.memory_space<vmem>>)
    %dma_wait3A_31 = arith.constant 0 : i32
    %dma_wait3A_32 = arith.constant 0 : i32
    %dma_wait3A_33 = arith.constant 0 : i32
    %dma_wait3A_34 = tpu.memref_slice %arg9[%dma_wait3A_31, %dma_wait3A_32, %dma_wait3A_33] : memref<1x128x256xf32, #tpu.memory_space<vmem>> -> memref<1x128x256xf32, #tpu.memory_space<vmem>>
    %dma_wait3A_35 = tpu.memref_squeeze %dma_wait3A_34 : memref<1x128x256xf32, #tpu.memory_space<vmem>> -> memref<128x256xf32, #tpu.memory_space<vmem>>
    %dma_wait3A_36 = arith.constant 0 : i32
    %dma_wait3A_37 = tpu.memref_slice %arg7[%dma_wait3A_36] : memref<128xi32, #tpu.memory_space<vmem>> -> memref<128xi32, #tpu.memory_space<vmem>>
    %dma_wait3A_38 = arith.constant 0 : i32
    %dma_wait3A_39 = arith.constant 0 : i32
    %dma_wait3A_40 = tpu.memref_slice %arg3[%dma_wait3A_38, %dma_wait3A_39] : memref<8192x256xf32, #tpu.memory_space<hbm>> -> memref<8192x256xf32, #tpu.memory_space<hbm>>
    tpu.wait_indirect_dma semaphore(%arg10 : memref<!tpu.dma_semaphore, #tpu.memory_space<semaphore_mem>>) src(%dma_wait3A_40 : memref<8192x256xf32, #tpu.memory_space<hbm>>) dst(%dma_wait3A_35 : memref<128x256xf32, #tpu.memory_space<vmem>>)
    %add3A_41 = arith.constant 0 : i32
    %add3A_42 = arith.addi %mul3A_2, %add3A_41 : i32
    %dma_start3A_43 = arith.constant 0 : i32
    %dma_start3A_44 = arith.constant 0 : i32
    %dma_start3A_45 = arith.constant 0 : i32
    %dma_start3A_46 = tpu.memref_slice %arg8[%dma_start3A_43, %dma_start3A_44, %dma_start3A_45] : memref<1x128x256xf32, #tpu.memory_space<vmem>> -> memref<1x128x256xf32, #tpu.memory_space<vmem>>
    %dma_start3A_47 = tpu.memref_squeeze %dma_start3A_46 : memref<1x128x256xf32, #tpu.memory_space<vmem>> -> memref<128x256xf32, #tpu.memory_space<vmem>>
    %dma_start3A_48 = arith.constant 0 : i32
    %dma_start3A_49 = tpu.memref_slice %arg5[%add3A_42, %dma_start3A_48] : memref<4096x256xf32, #tpu.memory_space<hbm>> -> memref<128x256xf32, #tpu.memory_space<hbm>>
    %dma_start3A_50 = arith.constant 0 : i32
    %dma_start3A_51 = tpu.memref_slice %arg5[%add3A_42, %dma_start3A_50] : memref<4096x256xf32, #tpu.memory_space<hbm>> -> memref<128x256xf32, #tpu.memory_space<hbm>>
    %dma_start3A_52 = arith.constant 0 : i32
    %dma_start3A_53 = arith.constant 0 : i32
    %dma_start3A_54 = tpu.memref_slice %arg8[%dma_start3A_43, %dma_start3A_52, %dma_start3A_53] : memref<1x128x256xf32, #tpu.memory_space<vmem>> -> memref<1x128x256xf32, #tpu.memory_space<vmem>>
    %dma_start3A_55 = tpu.memref_squeeze %dma_start3A_54 : memref<1x128x256xf32, #tpu.memory_space<vmem>> -> memref<128x256xf32, #tpu.memory_space<vmem>>
    tpu.enqueue_dma source(%dma_start3A_55 : memref<128x256xf32, #tpu.memory_space<vmem>>) target(%dma_start3A_51 : memref<128x256xf32, #tpu.memory_space<hbm>>) target_semaphore(%arg11 : memref<!tpu.dma_semaphore, #tpu.memory_space<semaphore_mem>>)
    %dma_start3A_56 = arith.constant 0 : i32
    %dma_start3A_57 = arith.constant 0 : i32
    %dma_start3A_58 = arith.constant 0 : i32
    %dma_start3A_59 = tpu.memref_slice %arg9[%dma_start3A_56, %dma_start3A_57, %dma_start3A_58] : memref<1x128x256xf32, #tpu.memory_space<vmem>> -> memref<1x128x256xf32, #tpu.memory_space<vmem>>
    %dma_start3A_60 = tpu.memref_squeeze %dma_start3A_59 : memref<1x128x256xf32, #tpu.memory_space<vmem>> -> memref<128x256xf32, #tpu.memory_space<vmem>>
    %dma_start3A_61 = arith.constant 0 : i32
    %dma_start3A_62 = tpu.memref_slice %arg6[%add3A_42, %dma_start3A_61] : memref<4096x256xf32, #tpu.memory_space<hbm>> -> memref<128x256xf32, #tpu.memory_space<hbm>>
    %dma_start3A_63 = arith.constant 0 : i32
    %dma_start3A_64 = tpu.memref_slice %arg6[%add3A_42, %dma_start3A_63] : memref<4096x256xf32, #tpu.memory_space<hbm>> -> memref<128x256xf32, #tpu.memory_space<hbm>>
    %dma_start3A_65 = arith.constant 0 : i32
    %dma_start3A_66 = arith.constant 0 : i32
    %dma_start3A_67 = tpu.memref_slice %arg9[%dma_start3A_56, %dma_start3A_65, %dma_start3A_66] : memref<1x128x256xf32, #tpu.memory_space<vmem>> -> memref<1x128x256xf32, #tpu.memory_space<vmem>>
    %dma_start3A_68 = tpu.memref_squeeze %dma_start3A_67 : memref<1x128x256xf32, #tpu.memory_space<vmem>> -> memref<128x256xf32, #tpu.memory_space<vmem>>
    tpu.enqueue_dma source(%dma_start3A_68 : memref<128x256xf32, #tpu.memory_space<vmem>>) target(%dma_start3A_64 : memref<128x256xf32, #tpu.memory_space<hbm>>) target_semaphore(%arg11 : memref<!tpu.dma_semaphore, #tpu.memory_space<semaphore_mem>>)
    %dma_wait3A_69 = arith.constant 0 : i32
    %dma_wait3A_70 = arith.constant 0 : i32
    %dma_wait3A_71 = arith.constant 0 : i32
    %dma_wait3A_72 = tpu.memref_slice %arg8[%dma_wait3A_69, %dma_wait3A_70, %dma_wait3A_71] : memref<1x128x256xf32, #tpu.memory_space<vmem>> -> memref<1x128x256xf32, #tpu.memory_space<vmem>>
    %dma_wait3A_73 = tpu.memref_squeeze %dma_wait3A_72 : memref<1x128x256xf32, #tpu.memory_space<vmem>> -> memref<128x256xf32, #tpu.memory_space<vmem>>
    %dma_wait3A_74 = arith.constant 0 : i32
    %dma_wait3A_75 = tpu.memref_slice %arg5[%add3A_42, %dma_wait3A_74] : memref<4096x256xf32, #tpu.memory_space<hbm>> -> memref<128x256xf32, #tpu.memory_space<hbm>>
    %dma_wait3A_76 = arith.constant 0 : i32
    %dma_wait3A_77 = tpu.memref_slice %arg5[%add3A_42, %dma_wait3A_76] : memref<4096x256xf32, #tpu.memory_space<hbm>> -> memref<128x256xf32, #tpu.memory_space<hbm>>
    %dma_wait3A_78 = arith.constant 0 : i32
    %dma_wait3A_79 = arith.constant 0 : i32
    %dma_wait3A_80 = tpu.memref_slice %arg8[%dma_wait3A_69, %dma_wait3A_78, %dma_wait3A_79] : memref<1x128x256xf32, #tpu.memory_space<vmem>> -> memref<1x128x256xf32, #tpu.memory_space<vmem>>
    %dma_wait3A_81 = tpu.memref_squeeze %dma_wait3A_80 : memref<1x128x256xf32, #tpu.memory_space<vmem>> -> memref<128x256xf32, #tpu.memory_space<vmem>>
    tpu.wait_dma2 semaphore(%arg11 : memref<!tpu.dma_semaphore, #tpu.memory_space<semaphore_mem>>) src(%dma_wait3A_81 : memref<128x256xf32, #tpu.memory_space<vmem>>) dst(%dma_wait3A_77 : memref<128x256xf32, #tpu.memory_space<hbm>>)
    %dma_wait3A_82 = arith.constant 0 : i32
    %dma_wait3A_83 = arith.constant 0 : i32
    %dma_wait3A_84 = arith.constant 0 : i32
    %dma_wait3A_85 = tpu.memref_slice %arg9[%dma_wait3A_82, %dma_wait3A_83, %dma_wait3A_84] : memref<1x128x256xf32, #tpu.memory_space<vmem>> -> memref<1x128x256xf32, #tpu.memory_space<vmem>>
    %dma_wait3A_86 = tpu.memref_squeeze %dma_wait3A_85 : memref<1x128x256xf32, #tpu.memory_space<vmem>> -> memref<128x256xf32, #tpu.memory_space<vmem>>
    %dma_wait3A_87 = arith.constant 0 : i32
    %dma_wait3A_88 = tpu.memref_slice %arg6[%add3A_42, %dma_wait3A_87] : memref<4096x256xf32, #tpu.memory_space<hbm>> -> memref<128x256xf32, #tpu.memory_space<hbm>>
    %dma_wait3A_89 = arith.constant 0 : i32
    %dma_wait3A_90 = tpu.memref_slice %arg6[%add3A_42, %dma_wait3A_89] : memref<4096x256xf32, #tpu.memory_space<hbm>> -> memref<128x256xf32, #tpu.memory_space<hbm>>
    %dma_wait3A_91 = arith.constant 0 : i32
    %dma_wait3A_92 = arith.constant 0 : i32
    %dma_wait3A_93 = tpu.memref_slice %arg9[%dma_wait3A_82, %dma_wait3A_91, %dma_wait3A_92] : memref<1x128x256xf32, #tpu.memory_space<vmem>> -> memref<1x128x256xf32, #tpu.memory_space<vmem>>
    %dma_wait3A_94 = tpu.memref_squeeze %dma_wait3A_93 : memref<1x128x256xf32, #tpu.memory_space<vmem>> -> memref<128x256xf32, #tpu.memory_space<vmem>>
    tpu.wait_dma2 semaphore(%arg11 : memref<!tpu.dma_semaphore, #tpu.memory_space<semaphore_mem>>) src(%dma_wait3A_94 : memref<128x256xf32, #tpu.memory_space<vmem>>) dst(%dma_wait3A_90 : memref<128x256xf32, #tpu.memory_space<hbm>>)
    return
  }
}

</mosaic_0001>

<sc_bundles>
// kernel: _rope_gather.3.cloned.1.call-start
scs
__scs_entry_jumppad:
0x0: {  	(pc) =	sbr.rel $0x88, $3  }
0x1: {  	(tag) =	ssettag $0x0;
	lr =	simm.s32 $0x1  }
0x2: {  	[smem:$0x3F9E] =	sst lr;
	_ =	strace $0xD0000000  }
0x3: {  	_ = 	snop  }
0x4: {  	_ = 	snop  }
0x5: {  	_ = 	snop  }
0x6: {  	_ = 	snop  }
0x7: {  	_ = 	snop  }
__scs_overlays_trampoline_lowered:
0x8: {  	[smem:$0x3FAD] =	sst s0  }
0x9: {  	[smem:$0x3FAE] =	sst s1  }
0xa: {  	[smem:$0x3FAF] =	sst s2  }
0xb: {  	[smem:$0x3FB0] =	sst s3  }
0xc: {  	[smem:$0x3FB1] =	sst s4  }
0xd: {  	[smem:$0x3FB2] =	sst s5  }
0xe: {  	[smem:$0x3FB3] =	sst s6  }
0xf: {  	[smem:$0x3FB4] =	sst s7  }
0x10: {  	[smem:$0x3FB5] =	sst s8  }
0x11: {  	[smem:$0x3FB6] =	sst s9;
	s0 =	simm.s32 @!p0 $0x0  }
0x12: {  	s1 =	sld [smem:$0x3F9C];
	s0 =	simm.s32 @p0 $0x1  }
0x13: {  	[smem:$0x3FB7] =	sst s0;
	s0 =	simm.s32 @!p1 $0x0  }
0x14: {  	s2 =	sld [smem:$0x3F9B];
	s0 =	simm.s32 @p1 $0x1  }
0x15: {  	[smem:$0x3FB8] =	sst s0;
	s0 =	simm.s32 @!p2 $0x0  }
0x16: {  	s3 =	sld [smem:$0x3FDB];
	s0 =	simm.s32 @p2 $0x1  }
0x17: {  	s4 =	simm.s32 $0x1BF5;
	[smem:$0x3FBA] =	sst s0  }
0x18: {  	s0 =	sld [smem:$0x3F9D];
	_ =	swait.ge [sflag:s4], $0x0  }
0x19: {  	s7 =	sld [smem:$0x3F9E]  }
0x1a: {  	s8 =	sadd.s32 $0xFFFFE003, lr  }
0x1b: {  	s9 =	sadd.s32 $0xFFFFFEF7, lr;
	s5 =	simm.s32 $0xFFFFFFFF;
	p2 =	slt.u32 s8, $0xFFFFF086  }
0x1c: {  	p1 =	slt.u32 s9, $0xF7A;
	s5 =	simm.s32 @!p2 $0x0  }
0x1d: {  	s5 =	simm.s32 @p1 $0x1;
	p0 =	seq.s32 s7, s2  }
0x1e: {  	s7 =	smul.u32 @!p0 $0xF7A, s2;
	p2 =	seq.s32 @!p0 s5, $0x0  }
0x1f: {  	s9 =	smul.u32 $0xF7A, s1;
	s8 =	simm.s32 @!p0 $0x1BF5;
	p2 =	por !p2, p0  }
0x20: {  	[sflag:s8] =	ssyncset.s32 @!p0 $0xFFFFF086;
	s6 =	sadd.s32 @!p0 s3, s7;
	s7 =	simm.s32 @!p0 $0x108  }
0x21: {  	s3 =	sadd.s32 s3, s9;
	s6 =	sadd.s32 @!p0 $0x88, s6;
	s7 =	simm.s32 @p2 $0x1082  }
0x22: {  	[simem:s7], [sflag:s8] =	dma.local @!p0 [hbm:s6], $0xF7A  }
0x23: {  	s9 =	sor.u32 $0xD0000000, s2;
	s6 =	simm.s32 $0x108;
	_ =	swait.ge @!p0 [sflag:s8], $0x0  }
0x24: {  	s3 =	sadd.s32 $0x88, s3;
	s6 =	simm.s32 @!p1 $0x1082;
	[sflag:s4] =	ssyncset.s32 $0xFFFFF086  }
0x25: {  	[simem:s6], [sflag:s4] =	dma.local [hbm:s3], $0xF7A  }
0x26: {  	[smem:$0x3F9E] =	sst s1;
	(tag) =	ssettag s2;
	_ =	strace s9  }
0x27: {  	s1 =	sld [smem:$0x3FAE]  }
0x28: {  	s2 =	sld [smem:$0x3FAF]  }
0x29: {  	s4 =	sld [smem:$0x3FB1]  }
0x2a: {  	p0 =	seq.s32 s5, $0x0;
	s5 =	sld [smem:$0x3FB2]  }
0x2b: {  	s6 =	sld [smem:$0x3FB3]  }
0x2c: {  	s7 =	sld [smem:$0x3FB4]  }
0x2d: {  	s3 =	simm.s32 $0x108;
	s8 =	sld [smem:$0x3FB5]  }
0x2e: {  	s3 =	simm.s32 @!p0 $0x1082;
	s9 =	sld [smem:$0x3FB6]  }
0x2f: {  	lr =	sadd.s32 s0, s3;
	s0 =	sld [smem:$0x3FAD]  }
0x30: {  	s3 =	sld [smem:$0x3FB0]  }
0x31: {  	[smem:$0x3FB9] =	sst s10  }
0x32: {  	s10 =	sld [smem:$0x3FB7];
	_ =	sdelay $0x3  }
0x33: {  	p0 =	seq.s32 s10, $0x1;
	s10 =	sld [smem:$0x3FB9];
	_ =	sdelay $0x3  }
0x34: {  	[smem:$0x3FB9] =	sst s10  }
0x35: {  	s10 =	sld [smem:$0x3FB8];
	_ =	sdelay $0x3  }
0x36: {  	p1 =	seq.s32 s10, $0x1;
	s10 =	sld [smem:$0x3FB9];
	_ =	sdelay $0x3  }
0x37: {  	[smem:$0x3FB9] =	sst s10  }
0x38: {  	s10 =	sld [smem:$0x3FBA]  }
0x39: {  	_ = 	snop;
	(pc) =	sbr.ind lr, $3  }
0x3a: {  	_ = 	snop  }
0x3b: {  	_ = 	snop  }
0x3c: {  	p2 =	seq.s32 s10, $0x1;
	s10 =	sld [smem:$0x3FB9]  }
0x3d: {  	_ =	shalt  }
0x3e: {  	_ =	shalt  }
0x3f: {  	_ =	shalt  }
0x40: {  	_ =	shalt  }
0x41: {  	_ =	shalt  }
0x42: {  	_ =	shalt  }
0x43: {  	_ =	shalt  }
0x44: {  	_ =	shalt  }
0x45: {  	_ =	shalt  }
0x46: {  	_ =	shalt  }
0x47: {  	_ =	shalt  }
0x48: {  	_ =	shalt  }
0x49: {  	_ =	shalt  }
0x4a: {  	_ =	shalt  }
0x4b: {  	_ =	shalt  }
0x4c: {  	_ =	shalt  }
0x4d: {  	_ =	shalt  }
0x4e: {  	_ =	shalt  }
0x4f: {  	_ =	shalt  }
0x50: {  	_ =	shalt  }
0x51: {  	_ =	shalt  }
0x52: {  	_ =	shalt  }
0x53: {  	_ =	shalt  }
0x54: {  	_ =	shalt  }
0x55: {  	_ =	shalt  }
0x56: {  	_ =	shalt  }
0x57: {  	_ =	shalt  }
0x58: {  	_ =	shalt  }
0x59: {  	_ =	shalt  }
0x5a: {  	_ =	shalt  }
0x5b: {  	_ =	shalt  }
0x5c: {  	_ =	shalt  }
0x5d: {  	_ =	shalt  }
0x5e: {  	_ =	shalt  }
0x5f: {  	_ =	shalt  }
0x60: {  	_ =	shalt  }
0x61: {  	_ =	shalt  }
0x62: {  	_ =	shalt  }
0x63: {  	_ =	shalt  }
0x64: {  	_ =	shalt  }
0x65: {  	_ =	shalt  }
0x66: {  	_ =	shalt  }
0x67: {  	_ =	shalt  }
0x68: {  	_ =	shalt  }
0x69: {  	_ =	shalt  }
0x6a: {  	_ =	shalt  }
0x6b: {  	_ =	shalt  }
0x6c: {  	_ =	shalt  }
0x6d: {  	_ =	shalt  }
0x6e: {  	_ =	shalt  }
0x6f: {  	_ =	shalt  }
0x70: {  	_ =	shalt  }
0x71: {  	_ =	shalt  }
0x72: {  	_ =	shalt  }
0x73: {  	_ =	shalt  }
0x74: {  	_ =	shalt  }
0x75: {  	_ =	shalt  }
0x76: {  	_ =	shalt  }
0x77: {  	_ =	shalt  }
0x78: {  	_ =	shalt  }
0x79: {  	_ =	shalt  }
0x7a: {  	_ =	shalt  }
0x7b: {  	_ =	shalt  }
0x7c: {  	_ =	shalt  }
0x7d: {  	_ =	shalt  }
0x7e: {  	_ =	shalt  }
0x7f: {  	_ =	shalt  }
0x80: {  	_ =	shalt  }
0x81: {  	_ =	shalt  }
0x82: {  	_ =	shalt  }
0x83: {  	_ =	shalt  }
0x84: {  	_ =	shalt  }
0x85: {  	_ =	shalt  }
0x86: {  	_ =	shalt  }
0x87: {  	_ =	shalt  }
.Lfunc_end0:
.L_simem_size_0:
called_computation_lowered:
.L_overlay_start_0:
0x88: {  	s2 =	sld [smem:$0x3FD9]  }
0x89: {  	s3 =	sld [smem:$0x3FFE];
	_ =	sdelay $0x1  }
0x8a: {  	s1 =	srdreg.scid  }
0x8b: {  	s0 =	sand.u32 $0x1, s1  }
0x8c: {  	s15 =	sshll.u32 s0, $0xA;
	s2 =	sadd.s32 s3, s2  }
0x8d: {  	s2 =	sadd.s32 s2, s15  }
0x8e: {  	[smem:$0x3FC5] =	sst s2  }
0x8f: {  	_ = 	snop  }
0x90: {  	s2 =	sld [smem:$0x3FD0]  }
0x91: {  	s16 =	sld [smem:$0x3FC9]  }
0x92: {  	s4 =	sld [smem:$0x3FC8]  }
0x93: {  	s6 =	simm.s32 $0xA;
	s7 =	simm.s32 $0x10;
	s5 =	sld [smem:$0x3FC7]  }
0x94: {  	[smem:s7], [sflag:s6] =	dma.local [hbm:s2], $0x1  }
0x95: {  	_ =	swait.eq [sflag:s6], $0x1  }
0x96: {  	[sflag:s6] =	ssyncset.done $0x0  }
0x97: {  	s17 =	sld [smem:$0x10];
	[sflag:s6] =	ssyncadd.s32 $0xFFFFFFFF  }
0x98: {  	s18 =	sld [smem:$0x11];
	(tm) =	ssettm $0x1  }
0x99: {  	s19 =	sld [smem:$0x3FFB];
	_ =	sdelay $0x3  }
0x9a: {  	_ =	strace s19  }
0x9b: {  	s7 =	sld [smem:$0x3FFC];
	_ =	sdelay $0x3  }
0x9c: {  	_ =	strace s7  }
0x9d: {  	s7 =	sld [smem:$0x3FFD];
	_ =	sdelay $0x3  }
0x9e: {  	_ =	strace s7  }
0x9f: {  	_ =	strace $0x8FFFFFFF  }
0xa0: {  	s20 =	sld [smem:$0x3FDB];
	_ =	sdelay $0x1  }
0xa1: {  	s8 =	simm.s32 $_scs_section_size  }
0xa2: {  	s9 =	simm.s32 $_size__tile_overlayer_lowered;
	s10 =	simm.s32 $_tile_overlayer_lowered  }
0xa3: {  	s23 =	simm.s32 $0x1BFF;
	s22 =	sshll.u32 s10, $0x1;
	s7 =	sadd.s32 s8, s20  }
0xa4: {  	s11 =	simm.s32 $0x0;
	s21 =	sshll.u32 s9, $0x1;
	s9 =	sadd.s32 s22, s7  }
0xa5: {  	[timem:s11], [sflag:s23] =	dma.local [hbm:s9], s21  }
0xa6: {  	_ =	swait.ge [sflag:s23], s21  }
0xa7: {  	s8 =	ssub.s32 $0x0, s21;
	[sflag:s23] =	ssyncset.done $0x0  }
0xa8: {  	[sflag:s23] =	ssyncadd.s32 s8;
	_ =	sdelay $0x1  }
0xa9: {  	s24 =	simm.s32 $0x1B8B  }
0xaa: {  	_ =	swait.ge [sflag:s24], $0x1  }
0xab: {  	[sflag:s24] =	ssyncset.done $0x0  }
0xac: {  	s25 =	simm.s32 $0x1B8E;
	[sflag:s24] =	ssyncadd.s32 $0xFFFFFFFF  }
0xad: {  	s26 =	simm.s32 $execute0_lowered;
	[smem:$0x3FD2] =	sst s25  }
0xae: {  	s8 =	sshll.u32 s26, $0x1;
	_ =	strace $0x80000046;
	[dreg:$0x1] =	wrdreg $0xFFFFFFFF  }
0xaf: {  	s28 =	simm.s32 $_size_execute0_lowered;
	s7 =	sadd.s32 s7, s8;
	[dreg:$0x0] =	wrdreg $0x0  }
0xb0: {  	s8 =	sshll.u32 s28, $0x1;
	[dreg:$0x2] =	wrdreg s7  }
0xb1: {  	[dreg:$0x3] =	wrdreg s8  }
0xb2: {  	[dreg:$0x4] =	wrdreg $0xC0  }
0xb3: {  	_ =	task [dreg:s11], $0x5FFFF  }
0xb4: {  	[dreg:$0x1] =	wrdreg $0xFFFFFFFF  }
0xb5: {  	[dreg:$0x0] =	wrdreg $0x60  }
0xb6: {  	[dreg:$0x2] =	wrdreg s16  }
0xb7: {  	[dreg:$0x3] =	wrdreg s4  }
0xb8: {  	[dreg:$0x4] =	wrdreg s5  }
0xb9: {  	[dreg:$0x5] =	wrdreg s17  }
0xba: {  	[dreg:$0x6] =	wrdreg s18  }
0xbb: {  	[dreg:$0x7] =	wrdreg $0x9  }
0xbc: {  	_ =	task.clear_ibuf [dreg:s11], $0x8FFFF;
	_ =	strace $0x90000046  }
0xbd: {  	s29 =	simm.s32 $0x9;
	_ =	strace $0x80000048  }
0xbe: {  	_ =	swait.ge [sflag:s29], $0x1  }
0xbf: {  	[sflag:s29] =	ssyncadd.s32 $0xFFFFFFFF  }
0xc0: {  	_ =	strace $0x90000048  }
0xc1: {  	_ =	sfence  }
0xc2: {  	s30 =	sld [smem:$0x0];
	_ =	sdelay $0x2  }
0xc3: {  	s31 =	sshll.u32 s1, $0xD;
	s1 =	sshrl.u32 s1, $0x2  }
0xc4: {  	s3 =	sand.u32 $0x4000, s31;
	s1 =	sadd.s32 s1, s30  }
0xc5: {  	s0 =	sor.u32 s3, s0;
	s1 =	sshll.u32 s1, $0x11  }
0xc6: {  	s0 =	sor.u32 s1, s0  }
0xc7: {  	s0 =	sadd.s32 $0x8F2B, s0  }
0xc8: {  	[sflag:s0] =	ssyncadd.remote.s32 $0x1  }
0xc9: {  	_ =	sfence.sel $0xFFFF  }
0xca: {  	[dreg:$0x0] =	wrdreg $0xFFFFFFFF;
	(pc) =	sbr.abs _section_cstart, $3  }
0xcb: {  	[dreg:$0x1] =	wrdreg $0xFFFFFFFF  }
0xcc: {  	_ =	task.clear_ibuf [dreg:s11], $0x2FFFF;
	_ =	strace $0x9FFFFFFF  }
0xcd: {  	(tm) =	ssettm $0x7FFFFFFF  }
tec
execute0_lowered:
.L_overlay_start_1:
0x0: {  	(tag) =	ssettag $0x1  }
0x1: {  	s0 =	rddreg [dreg:$0x0]  }
0x2: {  	s2 =	rddreg [dreg:$0x1]  }
0x3: {  	s3 =	rddreg [dreg:$0x2];
	s4 =	srdreg.scid  }
0x4: {  	s5 =	rddreg [dreg:$0x3];
	s1 =	stileid.u32  }
0x5: {  	s7 =	rddreg [dreg:$0x4];
	s17 =	simm.s32 $0x880;
	s18 =	simm.s32 $0x1080  }
0x6: {  	s19 =	simm.s32 $0x1880;
	s20 =	simm.s32 $0x2080;
	s21 =	simm.s32 $0x2880  }
0x7: {  	s23 =	simm.s32 $0x3080;
	s6 =	sand.u32 $0x1, s4;
	s4 =	simm.s32 $0x0  }
0x8: {  	s24 =	simm.s32 $0x3880;
	s25 =	simm.s32 $0x4080;
	[smem:$0x7FF] =	sst s4  }
0x9: {  	s26 =	simm.s32 $0x4880;
	_ =	strace $0x80000047;
	[dreg:$0x9] =	wrdreg s17  }
0xa: {  	s10 =	simm.s32 $0x6080;
	s11 =	simm.s32 $0x6880;
	[dreg:$0xa] =	wrdreg s18  }
0xb: {  	s12 =	simm.s32 $0x7080;
	s13 =	simm.s32 $0x7880;
	[dreg:$0xb] =	wrdreg s19  }
0xc: {  	s14 =	simm.s32 $0x8080;
	s28 =	simm.s32 $0xE880;
	[dreg:$0xc] =	wrdreg s20  }
0xd: {  	s29 =	simm.s32 $0xF080;
	s30 =	simm.s32 $0xF880;
	[dreg:$0xd] =	wrdreg s21  }
0xe: {  	s31 =	simm.s32 $0x1;
	s8 =	sshll.u32 s1, $0x8;
	[dreg:$0xe] =	wrdreg s23  }
0xf: {  	s9 =	sshll.u32 s6, $0x7;
	s22 =	ssub.s32 $0x2, s6;
	[dreg:$0xf] =	wrdreg s24  }
0x10: {  	s8 =	sor.u32 s9, s8;
	s6 =	sshrl.u32 s22, $0x1;
	[dreg:$0x10] =	wrdreg s25  }
0x11: {  	[dreg:$0x11] =	wrdreg s26;
	s17 =	simm.s32 $0x9880;
	s18 =	simm.s32 $0xA080  }
0x12: {  	s19 =	simm.s32 $0xA880;
	s20 =	simm.s32 $0xB080;
	s21 =	simm.s32 $0xB880  }
0x13: {  	s23 =	simm.s32 $0xC880;
	s24 =	simm.s32 $0xD080;
	s25 =	simm.s32 $0xD880  }
0x14: {  	s26 =	simm.s32 $0xE080;
	s9 =	sshrl.u32 s8, $0x3;
	s8 =	sshll.u32 s8, $0x5  }
0x15: {  	s3 =	sadd.s32 s3, s9;
	s15 =	sadd.s32 s5, s8;
	s16 =	sadd.s32 s7, s8  }
0x16: {  	s5 =	ssub.s32 s22, s6;
	s6 =	simm.s32 $0x3;
	[dreg:$0x6] =	wrdreg s3  }
0x17: {  	v2 =	vlaneseq.u32;
	s7 =	simm.s32 $0x80;
	s9 =	simm.s32 $0x5880;
	[dreg:$0x7] =	wrdreg s15  }
0x18: {  	vm0 =	vmmov $0xffff;
	v1 =	vshrl.u32 v2, $0x3;
	s22 =	simm.s32 $0xC080;
	[dreg:$0x8] =	wrdreg s16;
	s5 =	smax.u32 s5, $0x1  }
0x19: {  	v0 =	vand.u32 $0x7, v2;
	v2 =	vor.u32 $0x8, v2;
	v1 =	vmul.u32 $0x8, v1;
	s15 =	simm.s32 $0x8880;
	s16 =	simm.s32 $0x9080;
	s3 =	simm.s32 $0x2  }
.LBB2_1:
0x1a: {  	s1 =	rddreg [dreg:$0x6]  }
0x1b: {  	[tilespmem:s4], [sflag:$0x3] =	stream.linear.gather [hbm4b:s1+s4], $0x80, $0x38;
	[tilespmem:$0x10080] =	vst v63  }
0x1c: {  	_ =	swait.ge [sflag:s6], $0x80  }
0x1d: {  	[sflag:s6] =	ssyncset.done $0x0  }
0x1e: {  	[sflag:s6] =	ssyncadd.s32 $0xFFFFFF80  }
0x1f: {  	v3 =	vld [tilespmem:$0x0];
	_ =	sdelay $0x4  }
0x20: {  	v4 =	vshll.u32 v3, $0x1  }
0x21: {  	v3 =	vand.u32 $0x7, v3;
	v4 =	vand.u32 $0xFFFFFFF0, v4  }
0x22: {  	v3 =	vor.u32 v3, v4  }
0x23: {  	v4 =	vperm.xlane v3, v0;
	_ =	sdelay $0x1  }
0x24: {  	v3 =	vperm.xlane v3, v2;
	v4 =	vadd.s32 v1, v4;
	_ =	sdelay $0x1  }
0x25: {  	v3 =	vadd.s32 v1, v3;
	_ =	sdelay $0x2  }
0x26: {  	[tilespmem:s7], [sflag:$0x1] =	stream.indirect_vreg.gather [hbm4b:s0+s4], $0x80, v4, vm0, $0xb8;
	[tilespmem:$0x10080] =	vst v63  }
0x27: {  	s8 =	rddreg [dreg:$0x9]  }
0x28: {  	[tilespmem:s8], [sflag:$0x1] =	stream.indirect_vreg.gather [hbm4b:s0+s4], $0x80, v3, vm0, $0xb8;
	[tilespmem:$0x10080] =	vst v63  }
0x29: {  	v3 =	vld [tilespmem:$0x10];
	_ =	sdelay $0x4  }
0x2a: {  	v49 =	vshll.u32 v3, $0x1  }
0x2b: {  	v3 =	vand.u32 $0x7, v3;
	v4 =	vand.u32 $0xFFFFFFF0, v49  }
0x2c: {  	v3 =	vor.u32 v3, v4  }
0x2d: {  	v4 =	vperm.xlane v3, v0;
	_ =	sdelay $0x1  }
0x2e: {  	v3 =	vperm.xlane v3, v2;
	v4 =	vadd.s32 v1, v4;
	_ =	sdelay $0x1  }
0x2f: {  	v3 =	vadd.s32 v1, v3;
	_ =	sdelay $0x1  }
0x30: {  	s1 =	rddreg [dreg:$0xa]  }
0x31: {  	[tilespmem:s1], [sflag:$0x1] =	stream.indirect_vreg.gather [hbm4b:s0+s4], $0x80, v4, vm0, $0xb8;
	[tilespmem:$0x10080] =	vst v63  }
0x32: {  	s8 =	rddreg [dreg:$0xb]  }
0x33: {  	[tilespmem:s8], [sflag:$0x1] =	stream.indirect_vreg.gather [hbm4b:s0+s4], $0x80, v3, vm0, $0xb8;
	[tilespmem:$0x10080] =	vst v63  }
0x34: {  	v3 =	vld [tilespmem:$0x20];
	_ =	sdelay $0x4  }
0x35: {  	v50 =	vshll.u32 v3, $0x1  }
0x36: {  	v3 =	vand.u32 $0x7, v3;
	v4 =	vand.u32 $0xFFFFFFF0, v50  }
0x37: {  	v3 =	vor.u32 v3, v4  }
0x38: {  	v4 =	vperm.xlane v3, v0;
	_ =	sdelay $0x1  }
0x39: {  	v3 =	vperm.xlane v3, v2;
	v4 =	vadd.s32 v1, v4;
	_ =	sdelay $0x1  }
0x3a: {  	v3 =	vadd.s32 v1, v3;
	_ =	sdelay $0x1  }
0x3b: {  	s1 =	rddreg [dreg:$0xc]  }
0x3c: {  	[tilespmem:s1], [sflag:$0x1] =	stream.indirect_vreg.gather [hbm4b:s0+s4], $0x80, v4, vm0, $0xb8;
	[tilespmem:$0x10080] =	vst v63  }
0x3d: {  	s8 =	rddreg [dreg:$0xd]  }
0x3e: {  	[tilespmem:s8], [sflag:$0x1] =	stream.indirect_vreg.gather [hbm4b:s0+s4], $0x80, v3, vm0, $0xb8;
	[tilespmem:$0x10080] =	vst v63  }
0x3f: {  	v3 =	vld [tilespmem:$0x30];
	_ =	sdelay $0x4  }
0x40: {  	v51 =	vshll.u32 v3, $0x1  }
0x41: {  	v3 =	vand.u32 $0x7, v3;
	v4 =	vand.u32 $0xFFFFFFF0, v51  }
0x42: {  	v3 =	vor.u32 v3, v4  }
0x43: {  	v4 =	vperm.xlane v3, v0;
	_ =	sdelay $0x1  }
0x44: {  	v3 =	vperm.xlane v3, v2;
	v4 =	vadd.s32 v1, v4;
	_ =	sdelay $0x1  }
0x45: {  	v3 =	vadd.s32 v1, v3;
	_ =	sdelay $0x1  }
0x46: {  	s1 =	rddreg [dreg:$0xe]  }
0x47: {  	[tilespmem:s1], [sflag:$0x1] =	stream.indirect_vreg.gather [hbm4b:s0+s4], $0x80, v4, vm0, $0xb8;
	[tilespmem:$0x10080] =	vst v63  }
0x48: {  	s8 =	rddreg [dreg:$0xf]  }
0x49: {  	[tilespmem:s8], [sflag:$0x1] =	stream.indirect_vreg.gather [hbm4b:s0+s4], $0x80, v3, vm0, $0xb8;
	[tilespmem:$0x10080] =	vst v63  }
0x4a: {  	v3 =	vld [tilespmem:$0x40];
	_ =	sdelay $0x4  }
0x4b: {  	v52 =	vshll.u32 v3, $0x1  }
0x4c: {  	v3 =	vand.u32 $0x7, v3;
	v4 =	vand.u32 $0xFFFFFFF0, v52  }
0x4d: {  	v3 =	vor.u32 v3, v4  }
0x4e: {  	v4 =	vperm.xlane v3, v0;
	_ =	sdelay $0x1  }
0x4f: {  	v3 =	vperm.xlane v3, v2;
	v4 =	vadd.s32 v1, v4;
	_ =	sdelay $0x1  }
0x50: {  	v3 =	vadd.s32 v1, v3;
	_ =	sdelay $0x1  }
0x51: {  	s1 =	rddreg [dreg:$0x10]  }
0x52: {  	[tilespmem:s1], [sflag:$0x1] =	stream.indirect_vreg.gather [hbm4b:s0+s4], $0x80, v4, vm0, $0xb8;
	[tilespmem:$0x10080] =	vst v63  }
0x53: {  	s8 =	rddreg [dreg:$0x11]  }
0x54: {  	[tilespmem:s8], [sflag:$0x1] =	stream.indirect_vreg.gather [hbm4b:s0+s4], $0x80, v3, vm0, $0xb8;
	[tilespmem:$0x10080] =	vst v63  }
0x55: {  	v3 =	vld [tilespmem:$0x50];
	_ =	sdelay $0x4  }
0x56: {  	v53 =	vshll.u32 v3, $0x1  }
0x57: {  	v3 =	vand.u32 $0x7, v3;
	v4 =	vand.u32 $0xFFFFFFF0, v53  }
0x58: {  	v3 =	vor.u32 v3, v4  }
0x59: {  	v4 =	vperm.xlane v3, v0;
	_ =	sdelay $0x1  }
0x5a: {  	v3 =	vperm.xlane v3, v2;
	v4 =	vadd.s32 v1, v4;
	_ =	sdelay $0x1  }
0x5b: {  	v3 =	vadd.s32 v1, v3;
	_ =	sdelay $0x1  }
0x5c: {  	s8 =	simm.s32 $0x5080  }
0x5d: {  	[tilespmem:s8], [sflag:$0x1] =	stream.indirect_vreg.gather [hbm4b:s0+s4], $0x80, v4, vm0, $0xb8;
	[tilespmem:$0x10080] =	vst v63  }
0x5e: {  	_ = 	snop  }
0x5f: {  	[tilespmem:s9], [sflag:$0x1] =	stream.indirect_vreg.gather [hbm4b:s0+s4], $0x80, v3, vm0, $0xb8;
	[tilespmem:$0x10080] =	vst v63  }
0x60: {  	v3 =	vld [tilespmem:$0x60];
	_ =	sdelay $0x4  }
0x61: {  	v54 =	vshll.u32 v3, $0x1  }
0x62: {  	v3 =	vand.u32 $0x7, v3;
	v4 =	vand.u32 $0xFFFFFFF0, v54  }
0x63: {  	v3 =	vor.u32 v3, v4  }
0x64: {  	v4 =	vperm.xlane v3, v0;
	_ =	sdelay $0x1  }
0x65: {  	v3 =	vperm.xlane v3, v2;
	v4 =	vadd.s32 v1, v4;
	_ =	sdelay $0x1  }
0x66: {  	v3 =	vadd.s32 v1, v3;
	_ =	sdelay $0x2  }
0x67: {  	[tilespmem:s10], [sflag:$0x1] =	stream.indirect_vreg.gather [hbm4b:s0+s4], $0x80, v4, vm0, $0xb8;
	[tilespmem:$0x10080] =	vst v63  }
0x68: {  	_ = 	snop  }
0x69: {  	[tilespmem:s11], [sflag:$0x1] =	stream.indirect_vreg.gather [hbm4b:s0+s4], $0x80, v3, vm0, $0xb8;
	[tilespmem:$0x10080] =	vst v63  }
0x6a: {  	v3 =	vld [tilespmem:$0x70];
	_ =	sdelay $0x4  }
0x6b: {  	v55 =	vshll.u32 v3, $0x1  }
0x6c: {  	v3 =	vand.u32 $0x7, v3;
	v4 =	vand.u32 $0xFFFFFFF0, v55  }
0x6d: {  	v3 =	vor.u32 v3, v4  }
0x6e: {  	v4 =	vperm.xlane v3, v0;
	_ =	sdelay $0x1  }
0x6f: {  	v3 =	vperm.xlane v3, v2;
	v4 =	vadd.s32 v1, v4;
	_ =	sdelay $0x1  }
0x70: {  	v3 =	vadd.s32 v1, v3;
	_ =	sdelay $0x2  }
0x71: {  	[tilespmem:s12], [sflag:$0x1] =	stream.indirect_vreg.gather [hbm4b:s0+s4], $0x80, v4, vm0, $0xb8;
	[tilespmem:$0x10080] =	vst v63  }
0x72: {  	_ = 	snop  }
0x73: {  	[tilespmem:s13], [sflag:$0x1] =	stream.indirect_vreg.gather [hbm4b:s0+s4], $0x80, v3, vm0, $0xb8;
	[tilespmem:$0x10080] =	vst v63  }
0x74: {  	v3 =	vld [tilespmem:$0x0];
	_ =	sdelay $0x4  }
0x75: {  	v56 =	vshll.u32 v3, $0x1  }
0x76: {  	v3 =	vand.u32 $0x7, v3;
	v4 =	vand.u32 $0xFFFFFFF0, v56  }
0x77: {  	v3 =	vor.u32 v3, v4  }
0x78: {  	v4 =	vperm.xlane v3, v0;
	_ =	sdelay $0x1  }
0x79: {  	v3 =	vperm.xlane v3, v2;
	v4 =	vadd.s32 v1, v4;
	_ =	sdelay $0x1  }
0x7a: {  	v3 =	vadd.s32 v1, v3;
	_ =	sdelay $0x2  }
0x7b: {  	[tilespmem:s14], [sflag:$0x1] =	stream.indirect_vreg.gather [hbm4b:s2+s4], $0x80, v4, vm0, $0xb8;
	[tilespmem:$0x10080] =	vst v63  }
0x7c: {  	_ = 	snop  }
0x7d: {  	[tilespmem:s15], [sflag:$0x1] =	stream.indirect_vreg.gather [hbm4b:s2+s4], $0x80, v3, vm0, $0xb8;
	[tilespmem:$0x10080] =	vst v63  }
0x7e: {  	v3 =	vld [tilespmem:$0x10];
	_ =	sdelay $0x4  }
0x7f: {  	v57 =	vshll.u32 v3, $0x1  }
0x80: {  	v3 =	vand.u32 $0x7, v3;
	v4 =	vand.u32 $0xFFFFFFF0, v57  }
0x81: {  	v3 =	vor.u32 v3, v4  }
0x82: {  	v4 =	vperm.xlane v3, v0;
	_ =	sdelay $0x1  }
0x83: {  	v3 =	vperm.xlane v3, v2;
	v4 =	vadd.s32 v1, v4;
	_ =	sdelay $0x1  }
0x84: {  	v3 =	vadd.s32 v1, v3;
	_ =	sdelay $0x2  }
0x85: {  	[tilespmem:s16], [sflag:$0x1] =	stream.indirect_vreg.gather [hbm4b:s2+s4], $0x80, v4, vm0, $0xb8;
	[tilespmem:$0x10080] =	vst v63  }
0x86: {  	_ = 	snop  }
0x87: {  	[tilespmem:s17], [sflag:$0x1] =	stream.indirect_vreg.gather [hbm4b:s2+s4], $0x80, v3, vm0, $0xb8;
	[tilespmem:$0x10080] =	vst v63  }
0x88: {  	v3 =	vld [tilespmem:$0x20];
	_ =	sdelay $0x4  }
0x89: {  	v58 =	vshll.u32 v3, $0x1  }
0x8a: {  	v3 =	vand.u32 $0x7, v3;
	v4 =	vand.u32 $0xFFFFFFF0, v58  }
0x8b: {  	v3 =	vor.u32 v3, v4  }
0x8c: {  	v4 =	vperm.xlane v3, v0;
	_ =	sdelay $0x1  }
0x8d: {  	v3 =	vperm.xlane v3, v2;
	v4 =	vadd.s32 v1, v4;
	_ =	sdelay $0x1  }
0x8e: {  	v3 =	vadd.s32 v1, v3;
	_ =	sdelay $0x2  }
0x8f: {  	[tilespmem:s18], [sflag:$0x1] =	stream.indirect_vreg.gather [hbm4b:s2+s4], $0x80, v4, vm0, $0xb8;
	[tilespmem:$0x10080] =	vst v63  }
0x90: {  	_ = 	snop  }
0x91: {  	[tilespmem:s19], [sflag:$0x1] =	stream.indirect_vreg.gather [hbm4b:s2+s4], $0x80, v3, vm0, $0xb8;
	[tilespmem:$0x10080] =	vst v63  }
0x92: {  	v3 =	vld [tilespmem:$0x30];
	_ =	sdelay $0x4  }
0x93: {  	v59 =	vshll.u32 v3, $0x1  }
0x94: {  	v3 =	vand.u32 $0x7, v3;
	v4 =	vand.u32 $0xFFFFFFF0, v59  }
0x95: {  	v3 =	vor.u32 v3, v4  }
0x96: {  	v4 =	vperm.xlane v3, v0;
	_ =	sdelay $0x1  }
0x97: {  	v3 =	vperm.xlane v3, v2;
	v4 =	vadd.s32 v1, v4;
	_ =	sdelay $0x1  }
0x98: {  	v3 =	vadd.s32 v1, v3;
	_ =	sdelay $0x2  }
0x99: {  	[tilespmem:s20], [sflag:$0x1] =	stream.indirect_vreg.gather [hbm4b:s2+s4], $0x80, v4, vm0, $0xb8;
	[tilespmem:$0x10080] =	vst v63  }
0x9a: {  	_ = 	snop  }
0x9b: {  	[tilespmem:s21], [sflag:$0x1] =	stream.indirect_vreg.gather [hbm4b:s2+s4], $0x80, v3, vm0, $0xb8;
	[tilespmem:$0x10080] =	vst v63  }
0x9c: {  	v3 =	vld [tilespmem:$0x40];
	_ =	sdelay $0x4  }
0x9d: {  	v60 =	vshll.u32 v3, $0x1  }
0x9e: {  	v3 =	vand.u32 $0x7, v3;
	v4 =	vand.u32 $0xFFFFFFF0, v60  }
0x9f: {  	v3 =	vor.u32 v3, v4  }
0xa0: {  	v4 =	vperm.xlane v3, v0;
	_ =	sdelay $0x1  }
0xa1: {  	v3 =	vperm.xlane v3, v2;
	v4 =	vadd.s32 v1, v4;
	_ =	sdelay $0x1  }
0xa2: {  	v3 =	vadd.s32 v1, v3;
	_ =	sdelay $0x2  }
0xa3: {  	[tilespmem:s22], [sflag:$0x1] =	stream.indirect_vreg.gather [hbm4b:s2+s4], $0x80, v4, vm0, $0xb8;
	[tilespmem:$0x10080] =	vst v63  }
0xa4: {  	_ = 	snop  }
0xa5: {  	[tilespmem:s23], [sflag:$0x1] =	stream.indirect_vreg.gather [hbm4b:s2+s4], $0x80, v3, vm0, $0xb8;
	[tilespmem:$0x10080] =	vst v63  }
0xa6: {  	v3 =	vld [tilespmem:$0x50];
	_ =	sdelay $0x4  }
0xa7: {  	v61 =	vshll.u32 v3, $0x1  }
0xa8: {  	v3 =	vand.u32 $0x7, v3;
	v4 =	vand.u32 $0xFFFFFFF0, v61  }
0xa9: {  	v3 =	vor.u32 v3, v4  }
0xaa: {  	v4 =	vperm.xlane v3, v0;
	_ =	sdelay $0x1  }
0xab: {  	v3 =	vperm.xlane v3, v2;
	v4 =	vadd.s32 v1, v4;
	_ =	sdelay $0x1  }
0xac: {  	v3 =	vadd.s32 v1, v3;
	_ =	sdelay $0x2  }
0xad: {  	[tilespmem:s24], [sflag:$0x1] =	stream.indirect_vreg.gather [hbm4b:s2+s4], $0x80, v4, vm0, $0xb8;
	[tilespmem:$0x10080] =	vst v63  }
0xae: {  	_ = 	snop  }
0xaf: {  	[tilespmem:s25], [sflag:$0x1] =	stream.indirect_vreg.gather [hbm4b:s2+s4], $0x80, v3, vm0, $0xb8;
	[tilespmem:$0x10080] =	vst v63  }
0xb0: {  	v3 =	vld [tilespmem:$0x60];
	_ =	sdelay $0x4  }
0xb1: {  	v62 =	vshll.u32 v3, $0x1  }
0xb2: {  	v3 =	vand.u32 $0x7, v3;
	v4 =	vand.u32 $0xFFFFFFF0, v62  }
0xb3: {  	v3 =	vor.u32 v3, v4  }
0xb4: {  	v4 =	vperm.xlane v3, v0;
	_ =	sdelay $0x1  }
0xb5: {  	v3 =	vperm.xlane v3, v2;
	v4 =	vadd.s32 v1, v4;
	_ =	sdelay $0x1  }
0xb6: {  	v3 =	vadd.s32 v1, v3;
	_ =	sdelay $0x2  }
0xb7: {  	[tilespmem:s26], [sflag:$0x1] =	stream.indirect_vreg.gather [hbm4b:s2+s4], $0x80, v4, vm0, $0xb8;
	[tilespmem:$0x10080] =	vst v63  }
0xb8: {  	_ = 	snop  }
0xb9: {  	[tilespmem:s28], [sflag:$0x1] =	stream.indirect_vreg.gather [hbm4b:s2+s4], $0x80, v3, vm0, $0xb8;
	[tilespmem:$0x10080] =	vst v63  }
0xba: {  	v3 =	vld [tilespmem:$0x70];
	_ =	sdelay $0x4  }
0xbb: {  	v63 =	vshll.u32 v3, $0x1  }
0xbc: {  	v3 =	vand.u32 $0x7, v3;
	v4 =	vand.u32 $0xFFFFFFF0, v63  }
0xbd: {  	v3 =	vor.u32 v3, v4  }
0xbe: {  	v4 =	vperm.xlane v3, v0;
	_ =	sdelay $0x1  }
0xbf: {  	v3 =	vperm.xlane v3, v2;
	v4 =	vadd.s32 v1, v4;
	_ =	sdelay $0x1  }
0xc0: {  	v3 =	vadd.s32 v1, v3;
	_ =	sdelay $0x2  }
0xc1: {  	[tilespmem:s29], [sflag:$0x1] =	stream.indirect_vreg.gather [hbm4b:s2+s4], $0x80, v4, vm0, $0xb8;
	[tilespmem:$0x10080] =	vst v63  }
0xc2: {  	_ = 	snop  }
0xc3: {  	[tilespmem:s30], [sflag:$0x1] =	stream.indirect_vreg.gather [hbm4b:s2+s4], $0x80, v3, vm0, $0xb8;
	[tilespmem:$0x10080] =	vst v63  }
0xc4: {  	_ =	swait.ge [sflag:s31], $0x8000  }
0xc5: {  	[sflag:s31] =	ssyncset.done $0x0  }
0xc6: {  	[sflag:s31] =	ssyncadd.s32 $0xFFFF8000  }
0xc7: {  	_ =	swait.ge [sflag:s31], $0x8000  }
0xc8: {  	[sflag:s31] =	ssyncset.done $0x0  }
0xc9: {  	s1 =	rddreg [dreg:$0x7];
	[sflag:s31] =	ssyncadd.s32 $0xFFFF8000  }
0xca: {  	[hbm4b:s1+s4] =	stream.linear.scatter [tilespmem:s7], [sflag:$0x2], $0x8000, $0x38;
	[tilespmem:$0x10080] =	vst v63  }
0xcb: {  	s8 =	rddreg [dreg:$0x8]  }
0xcc: {  	[hbm4b:s8+s4] =	stream.linear.scatter [tilespmem:s14], [sflag:$0x2], $0x8000, $0x38;
	[tilespmem:$0x10080] =	vst v63  }
0xcd: {  	p0 =	sne.s32 s5, $0x1;
	_ =	swait.ge [sflag:s3], $0x8000  }
.Ltmp0:
0xce: {  	[sflag:s3] =	ssyncset.done $0x0;
	(pc) =	sbr.rel @p0 .LBB2_1-.Ltmp0, $4  }
0xcf: {  	[sflag:s3] =	ssyncadd.s32 $0xFFFF8000  }
0xd0: {  	_ =	swait.ge [sflag:s3], $0x8000  }
0xd1: {  	[sflag:s3] =	ssyncset.done $0x0  }
0xd2: {  	s5 =	sadd.s32 $0xFFFFFFFF, s5;
	[sflag:s3] =	ssyncadd.s32 $0xFFFF8000  }
0xd3: {  	_ =	sfence.sel $0x180000  }
0xd4: {  	[bflag:$0x0] =	sbarrier.arrive $0xFFFF  }
0xd5: {  	_ =	strace $0x90000047  }
0xd6: {  	s0 =	stileid.u32;
	[bflag:$0x2] =	sbarrier.arrive $0xFFFF  }
0xd7: {  	p0 =	sne.s32 s0, $0x0;
	s0 =	rddreg [dreg:$0x5]  }
0xd8: {  	s0 =	sadd.s32 @!p0 $0x100000, s0  }
0xd9: {  	[sflag:s0] =	ssyncadd.tile.s32 @!p0 $0x1;
	_ =	shalt  }
.Lfunc_end2:
_tile_overlayer_lowered:
.L_overlay_start_2:
0xda: {  	(tag) =	ssettag $0x2  }
0xdb: {  	s0 =	rddreg [dreg:$0x0];
	s2 =	stileid.u32  }
0xdc: {  	s1 =	rddreg [dreg:$0x1];
	p0 =	sne.s32 s2, $0x0  }
0xdd: {  	s3 =	rddreg [dreg:$0x2];
	[bflag:$0x3] =	sbarrier.arrive $0xFFFF;
	s2 =	simm.s32 @!p0 $0x1C03  }
0xde: {  	[timem:s3], [sflag:s2] =	dma.local @!p0 [hbm:s0], s1  }
0xdf: {  	s0 =	simm.s32 @!p0 $0x3  }
0xe0: {  	_ =	swait.ge @!p0 [sflag:s0], s1  }
0xe1: {  	s1 =	ssub.s32 @!p0 $0x0, s1;
	[sflag:s0] =	ssyncset.done @!p0 $0x0  }
0xe2: {  	[sflag:s0] =	ssyncadd.s32 @!p0 s1  }
0xe3: {  	[bflag:$0x3] =	sbarrier.arrive $0xFFFF  }
0xe4: {  	_ =	shalt  }

</sc_bundles>
